<compile_context>
chip_gen: v7x
topology: tpu7x:2x2x1
jax: 0.10.2.dev20260603
libtpu: 0.0.44.dev20260713+nightly
codegen_flags: <defaults>
</compile_context>

<pallas_src>
import functools

import jax
import jax.numpy as jnp
from jax import lax
from jax.experimental import pallas as pl
from jax.experimental.pallas import tpu as pltpu
from jax.experimental.pallas import tpu_sc as plsc

N = 10000
E = 320000
D = 128

DA = 136
NC = 2
NS = 16
NW = NC * NS
CH = 64
NCH = 160
EPT = CH * NCH
EPAD = EPT * NW
NACC = NS * 640


NBUF = 2
G = NCH // NBUF


def _sc_accumulate():
    mesh = plsc.VectorSubcoreMesh(core_axis_name="c", subcore_axis_name="s")

    @functools.partial(
        pl.kernel,
        mesh=mesh,
        out_type=jax.ShapeDtypeStruct((NC, NACC, DA), jnp.float32),
        compiler_params=pltpu.CompilerParams(use_tc_tiling_on_sc=False),
        scratch_types=[
            pltpu.VMEM((NCH, CH), jnp.int32),
            pltpu.VMEM((NCH, CH), jnp.int32),
            pltpu.VMEM((CH, DA), jnp.float32),
            pltpu.VMEM((CH, DA), jnp.float32),
            pltpu.VMEM_SHARED((NACC, DA), jnp.float32),
            pltpu.SemaphoreType.DMA,
            pltpu.SemaphoreType.DMA,
        ],
    )
    def body(xaug_hbm, src_hbm, dst_hbm, zeros_hbm, out_hbm,
             src_v, dst_v, rows0, rows1, acc_sh, sg0, sg1):
        cid = lax.axis_index("c")
        sid = lax.axis_index("s")
        wid = sid * NC + cid
        rows = (rows0, rows1)
        sg = (sg0, sg1)

        def start_g(j, b):
            pltpu.async_copy(xaug_hbm.at[src_v.at[j]], rows[b], sg[b])

        def wait_g(j, b):
            pltpu.make_async_copy(
                xaug_hbm.at[src_v.at[j]], rows[b], sg[b]).wait()

        def scatter(j, b):
            pltpu.sync_copy(rows[b], acc_sh.at[dst_v.at[j]], add=True)

        pltpu.sync_copy(zeros_hbm, acc_sh.at[pl.ds(sid * 640, 640)])

        pltpu.sync_copy(src_hbm.at[wid], src_v)
        pltpu.sync_copy(dst_hbm.at[wid], dst_v)

        plsc.subcore_barrier()

        for bb in range(NBUF):
            start_g(bb, bb)

        def group(gg, _):
            for bb in range(NBUF):
                j = gg * NBUF + bb
                wait_g(j, bb)
                scatter(j, bb)
                start_g(j + NBUF, bb)
            return _

        lax.fori_loop(0, G - 1, group, None)

        for bb in range(NBUF):
            j = (G - 1) * NBUF + bb
            wait_g(j, bb)
            scatter(j, bb)

        plsc.subcore_barrier()

        pltpu.sync_copy(acc_sh.at[pl.ds(sid * 640, 640)],
                        out_hbm.at[cid, pl.ds(sid * 640, 640)])

    return body


_RB = 2000


def _tc_body(x_ref, acc_ref, w_ref, b_ref, o_ref):
    a = acc_ref[0] + acc_ref[1]
    deg = jnp.maximum(a[:, D:D + 1], 1.0)
    h = x_ref[:] + a[:, :D] / deg
    z = jnp.dot(h, w_ref[:], preferred_element_type=jnp.float32) + b_ref[:]
    o_ref[:] = jax.nn.sigmoid(z)


def kernel(x, edge_index, W, b):
    xaug = jnp.concatenate(
        [x, jnp.ones((N, 1), jnp.float32), jnp.zeros((N, DA - D - 1), jnp.float32)],
        axis=1)

    pad = EPAD - E
    src = jnp.concatenate([edge_index[0], jnp.zeros((pad,), jnp.int32)])
    dst = jnp.concatenate([edge_index[1], jnp.full((pad,), N, jnp.int32)])
    src3 = src.reshape(NW, NCH, CH)
    dst3 = dst.reshape(NW, NCH, CH)

    zeros = jnp.zeros((640, DA), jnp.float32)

    acc = _sc_accumulate()(xaug, src3, dst3, zeros)

    b2 = b.reshape(1, D)
    out = pl.pallas_call(
        _tc_body,
        grid=(N // _RB,),
        in_specs=[
            pl.BlockSpec((_RB, D), lambda i: (i, 0)),
            pl.BlockSpec((NC, _RB, DA), lambda i: (0, i, 0)),
            pl.BlockSpec((D, D), lambda i: (0, 0)),
            pl.BlockSpec((1, D), lambda i: (0, 0)),
        ],
        out_specs=pl.BlockSpec((_RB, D), lambda i: (i, 0)),
        out_shape=jax.ShapeDtypeStruct((N, D), jnp.float32),
    )(x, acc, W, b2)
    return out

# --- scband reference (transcript-rebuilt; emitter-appended) ---
"""Pipeline reference for scband-my-gat-40570261078602 (READ-ONLY COPY).

The authoritative reference and input builder live on the scoring server;
editing this copy changes nothing except your own understanding.
"""

import jax, jax.numpy as jnp
import numpy as np

N = 10000
E = 320000
D = 128

def setup_inputs(seed: int = 0) -> dict:
    key = jax.random.key(seed)
    k1, k2, k3, k4 = jax.random.split(key, 4)
    x = jax.random.normal(k1, (N, D), dtype=jnp.float32)
    edge_index = jax.random.randint(k2, (2, E), 0, N, dtype=jnp.int32)
    # apply_func: Linear(D -> D), xavier-normal-ish init
    W = jax.random.normal(k3, (D, D), dtype=jnp.float32) * (1.414 / np.sqrt(D))
    b = jax.random.normal(k4, (D,), dtype=jnp.float32) * 0.01
    return {"x": x, "edge_index": edge_index, "W": W, "b": b}

def reference(x, edge_index, W, b):
    # myGINConv forward with aggregator_type='mean', apply_func=Linear, then sigmoid
    src = edge_index[0]
    dst = edge_index[1]
    msgs = jnp.take(x, src, axis=0)                      # copy_u: gather source features
    summed = jax.ops.segment_sum(msgs, dst, num_segments=N)
    deg = jax.ops.segment_sum(jnp.ones((E,), dtype=x.dtype), dst, num_segments=N)
    neigh = summed / jnp.maximum(deg, 1.0)[:, None]       # mean reducer; zero-degree -> 0
    eps = jnp.float32(0.0)                                 # init_eps=0, non-learnable buffer
    rst = (1.0 + eps) * x + neigh
    rst = rst @ W + b                                      # apply_func (Linear)
    rst = jax.nn.sigmoid(rst)                              # torch.sigmoid at end of forward
    return rst

if __name__ == "__main__":
    import jax
    _d = setup_inputs()
    print(jax.jit(kernel)(*tuple(_d.values())))

</pallas_src>

<mosaic_0001>
#map = affine_map<(d0, d1) -> (0, 0)>
#map1 = affine_map<(d0, d1) -> (0, 0, 0)>
module attributes {stable_mosaic.version = 14 : i64} {
  func.func @body(%arg0: i32, %arg1: i32, %arg2: memref<10000x136xf32, #tpu.memory_space<hbm>>, %arg3: memref<32x160x64xi32, #tpu.memory_space<hbm>>, %arg4: memref<32x160x64xi32, #tpu.memory_space<hbm>>, %arg5: memref<640x136xf32, #tpu.memory_space<hbm>>, %arg6: memref<2x10240x136xf32, #tpu.memory_space<hbm>>, %arg7: memref<160x64xi32, #tpu.memory_space<vmem>>, %arg8: memref<160x64xi32, #tpu.memory_space<vmem>>, %arg9: memref<64x136xf32, #tpu.memory_space<vmem>>, %arg10: memref<64x136xf32, #tpu.memory_space<vmem>>, %arg11: memref<10240x136xf32, #tpu.memory_space<vmem_shared>>, %arg12: memref<!tpu.dma_semaphore, #tpu.memory_space<semaphore_mem>>, %arg13: memref<!tpu.dma_semaphore, #tpu.memory_space<semaphore_mem>>) attributes {dimension_semantics = [#tpu.dimension_semantics<core_parallel>, #tpu.dimension_semantics<subcore_parallel>], iteration_bounds = array<i64: 2, 16>, scalar_prefetch = 0 : i64, scratch_operands = 7 : i64, tpu.core_type = #tpu.core_type<sc_vector_subcore>, window_params = [{transform_indices = #map}, {transform_indices = #map1}, {transform_indices = #map1}, {transform_indices = #map}, {transform_indices = #map1}]} {
    %mul3A = arith.constant 2 : i32
    %mul3A_0 = arith.muli %arg1, %mul3A : i32
    %add3A = arith.addi %mul3A_0, %arg0 : i32
    %mul3A_1 = arith.constant 640 : i32
    %mul3A_2 = arith.muli %arg1, %mul3A_1 : i32
    "tpu.region"() ({
      %run_scoped3A_39 = tpu.sem_alloc : memref<!tpu.dma_semaphore, #tpu.memory_space<semaphore_mem>>
      %dma_start3A_40 = arith.constant 0 : i32
      %dma_start3A_41 = tpu.memref_slice %arg11[%mul3A_2, %dma_start3A_40] : memref<10240x136xf32, #tpu.memory_space<vmem_shared>> -> memref<640x136xf32, #tpu.memory_space<vmem_shared>>
      tpu.enqueue_dma source(%arg5 : memref<640x136xf32, #tpu.memory_space<hbm>>) target(%dma_start3A_41 : memref<640x136xf32, #tpu.memory_space<vmem_shared>>) target_semaphore(%run_scoped3A_39 : memref<!tpu.dma_semaphore, #tpu.memory_space<semaphore_mem>>)
      %dma_wait3A_42 = arith.constant 0 : i32
      %dma_wait3A_43 = tpu.memref_slice %arg11[%mul3A_2, %dma_wait3A_42] : memref<10240x136xf32, #tpu.memory_space<vmem_shared>> -> memref<640x136xf32, #tpu.memory_space<vmem_shared>>
      tpu.wait_dma2 semaphore(%run_scoped3A_39 : memref<!tpu.dma_semaphore, #tpu.memory_space<semaphore_mem>>) src(%arg5 : memref<640x136xf32, #tpu.memory_space<hbm>>) dst(%dma_wait3A_43 : memref<640x136xf32, #tpu.memory_space<vmem_shared>>)
      tpu.yield
    }) : () -> ()
    "tpu.region"() ({
      %run_scoped3A_39 = tpu.sem_alloc : memref<!tpu.dma_semaphore, #tpu.memory_space<semaphore_mem>>
      %dma_start3A_40 = arith.constant 0 : i32
      %dma_start3A_41 = arith.constant 0 : i32
      %dma_start3A_42 = tpu.memref_slice %arg3[%add3A, %dma_start3A_40, %dma_start3A_41] : memref<32x160x64xi32, #tpu.memory_space<hbm>> -> memref<1x160x64xi32, #tpu.memory_space<hbm>>
      %dma_start3A_43 = tpu.memref_squeeze %dma_start3A_42 : memref<1x160x64xi32, #tpu.memory_space<hbm>> -> memref<160x64xi32, #tpu.memory_space<hbm>>
      %dma_start3A_44 = arith.constant 0 : i32
      %dma_start3A_45 = arith.constant 0 : i32
      %dma_start3A_46 = tpu.memref_slice %arg3[%add3A, %dma_start3A_44, %dma_start3A_45] : memref<32x160x64xi32, #tpu.memory_space<hbm>> -> memref<1x160x64xi32, #tpu.memory_space<hbm>>
      %dma_start3A_47 = tpu.memref_squeeze %dma_start3A_46 : memref<1x160x64xi32, #tpu.memory_space<hbm>> -> memref<160x64xi32, #tpu.memory_space<hbm>>
      tpu.enqueue_dma source(%dma_start3A_47 : memref<160x64xi32, #tpu.memory_space<hbm>>) target(%arg7 : memref<160x64xi32, #tpu.memory_space<vmem>>) target_semaphore(%run_scoped3A_39 : memref<!tpu.dma_semaphore, #tpu.memory_space<semaphore_mem>>)
      %dma_wait3A_48 = arith.constant 0 : i32
      %dma_wait3A_49 = arith.constant 0 : i32
      %dma_wait3A_50 = tpu.memref_slice %arg3[%add3A, %dma_wait3A_48, %dma_wait3A_49] : memref<32x160x64xi32, #tpu.memory_space<hbm>> -> memref<1x160x64xi32, #tpu.memory_space<hbm>>
      %dma_wait3A_51 = tpu.memref_squeeze %dma_wait3A_50 : memref<1x160x64xi32, #tpu.memory_space<hbm>> -> memref<160x64xi32, #tpu.memory_space<hbm>>
      %dma_wait3A_52 = arith.constant 0 : i32
      %dma_wait3A_53 = arith.constant 0 : i32
      %dma_wait3A_54 = tpu.memref_slice %arg3[%add3A, %dma_wait3A_52, %dma_wait3A_53] : memref<32x160x64xi32, #tpu.memory_space<hbm>> -> memref<1x160x64xi32, #tpu.memory_space<hbm>>
      %dma_wait3A_55 = tpu.memref_squeeze %dma_wait3A_54 : memref<1x160x64xi32, #tpu.memory_space<hbm>> -> memref<160x64xi32, #tpu.memory_space<hbm>>
      tpu.wait_dma2 semaphore(%run_scoped3A_39 : memref<!tpu.dma_semaphore, #tpu.memory_space<semaphore_mem>>) src(%dma_wait3A_55 : memref<160x64xi32, #tpu.memory_space<hbm>>) dst(%arg7 : memref<160x64xi32, #tpu.memory_space<vmem>>)
      tpu.yield
    }) : () -> ()
    "tpu.region"() ({
      %run_scoped3A_39 = tpu.sem_alloc : memref<!tpu.dma_semaphore, #tpu.memory_space<semaphore_mem>>
      %dma_start3A_40 = arith.constant 0 : i32
      %dma_start3A_41 = arith.constant 0 : i32
      %dma_start3A_42 = tpu.memref_slice %arg4[%add3A, %dma_start3A_40, %dma_start3A_41] : memref<32x160x64xi32, #tpu.memory_space<hbm>> -> memref<1x160x64xi32, #tpu.memory_space<hbm>>
      %dma_start3A_43 = tpu.memref_squeeze %dma_start3A_42 : memref<1x160x64xi32, #tpu.memory_space<hbm>> -> memref<160x64xi32, #tpu.memory_space<hbm>>
      %dma_start3A_44 = arith.constant 0 : i32
      %dma_start3A_45 = arith.constant 0 : i32
      %dma_start3A_46 = tpu.memref_slice %arg4[%add3A, %dma_start3A_44, %dma_start3A_45] : memref<32x160x64xi32, #tpu.memory_space<hbm>> -> memref<1x160x64xi32, #tpu.memory_space<hbm>>
      %dma_start3A_47 = tpu.memref_squeeze %dma_start3A_46 : memref<1x160x64xi32, #tpu.memory_space<hbm>> -> memref<160x64xi32, #tpu.memory_space<hbm>>
      tpu.enqueue_dma source(%dma_start3A_47 : memref<160x64xi32, #tpu.memory_space<hbm>>) target(%arg8 : memref<160x64xi32, #tpu.memory_space<vmem>>) target_semaphore(%run_scoped3A_39 : memref<!tpu.dma_semaphore, #tpu.memory_space<semaphore_mem>>)
      %dma_wait3A_48 = arith.constant 0 : i32
      %dma_wait3A_49 = arith.constant 0 : i32
      %dma_wait3A_50 = tpu.memref_slice %arg4[%add3A, %dma_wait3A_48, %dma_wait3A_49] : memref<32x160x64xi32, #tpu.memory_space<hbm>> -> memref<1x160x64xi32, #tpu.memory_space<hbm>>
      %dma_wait3A_51 = tpu.memref_squeeze %dma_wait3A_50 : memref<1x160x64xi32, #tpu.memory_space<hbm>> -> memref<160x64xi32, #tpu.memory_space<hbm>>
      %dma_wait3A_52 = arith.constant 0 : i32
      %dma_wait3A_53 = arith.constant 0 : i32
      %dma_wait3A_54 = tpu.memref_slice %arg4[%add3A, %dma_wait3A_52, %dma_wait3A_53] : memref<32x160x64xi32, #tpu.memory_space<hbm>> -> memref<1x160x64xi32, #tpu.memory_space<hbm>>
      %dma_wait3A_55 = tpu.memref_squeeze %dma_wait3A_54 : memref<1x160x64xi32, #tpu.memory_space<hbm>> -> memref<160x64xi32, #tpu.memory_space<hbm>>
      tpu.wait_dma2 semaphore(%run_scoped3A_39 : memref<!tpu.dma_semaphore, #tpu.memory_space<semaphore_mem>>) src(%dma_wait3A_55 : memref<160x64xi32, #tpu.memory_space<hbm>>) dst(%arg8 : memref<160x64xi32, #tpu.memory_space<vmem>>)
      tpu.yield
    }) : () -> ()
    %barrier3A = arith.constant 0 : index
    tpu.barrier barrier_id(%barrier3A)
    %dma_start3A = arith.constant 0 : i32
    %dma_start3A_3 = arith.constant 0 : i32
    %dma_start3A_4 = tpu.memref_slice %arg7[%dma_start3A, %dma_start3A_3] : memref<160x64xi32, #tpu.memory_space<vmem>> -> memref<1x64xi32, #tpu.memory_space<vmem>>
    %dma_start3A_5 = tpu.memref_squeeze %dma_start3A_4 : memref<1x64xi32, #tpu.memory_space<vmem>> -> memref<64xi32, #tpu.memory_space<vmem>>
    %dma_start3A_6 = arith.constant 0 : i32
    %dma_start3A_7 = arith.constant 0 : i32
    %dma_start3A_8 = tpu.memref_slice %arg2[%dma_start3A_6, %dma_start3A_7] : memref<10000x136xf32, #tpu.memory_space<hbm>> -> memref<10000x136xf32, #tpu.memory_space<hbm>>
    tpu.enqueue_indirect_dma source(%dma_start3A_8 : memref<10000x136xf32, #tpu.memory_space<hbm>>) target(%arg9 : memref<64x136xf32, #tpu.memory_space<vmem>>) offsets(%dma_start3A_5 : memref<64xi32, #tpu.memory_space<vmem>>) semaphore(%arg12 : memref<!tpu.dma_semaphore, #tpu.memory_space<semaphore_mem>>)
    %dma_start3A_9 = arith.constant 1 : i32
    %dma_start3A_10 = arith.constant 0 : i32
    %dma_start3A_11 = tpu.memref_slice %arg7[%dma_start3A_9, %dma_start3A_10] : memref<160x64xi32, #tpu.memory_space<vmem>> -> memref<1x64xi32, #tpu.memory_space<vmem>>
    %dma_start3A_12 = tpu.memref_squeeze %dma_start3A_11 : memref<1x64xi32, #tpu.memory_space<vmem>> -> memref<64xi32, #tpu.memory_space<vmem>>
    %dma_start3A_13 = arith.constant 0 : i32
    %dma_start3A_14 = arith.constant 0 : i32
    %dma_start3A_15 = tpu.memref_slice %arg2[%dma_start3A_13, %dma_start3A_14] : memref<10000x136xf32, #tpu.memory_space<hbm>> -> memref<10000x136xf32, #tpu.memory_space<hbm>>
    tpu.enqueue_indirect_dma source(%dma_start3A_15 : memref<10000x136xf32, #tpu.memory_space<hbm>>) target(%arg10 : memref<64x136xf32, #tpu.memory_space<vmem>>) offsets(%dma_start3A_12 : memref<64xi32, #tpu.memory_space<vmem>>) semaphore(%arg13 : memref<!tpu.dma_semaphore, #tpu.memory_space<semaphore_mem>>)
    %scan3A = arith.constant 0 : i32
    %scan3A_16 = arith.constant 79 : i32
    %scan3A_17 = arith.addi %scan3A, %scan3A_16 : i32
    %scan3A_18 = arith.constant 1 : i32
    scf.for %scan3A_39 = %scan3A to %scan3A_17 step %scan3A_18  : i32 {
      %mul3A_40 = arith.constant 2 : i32
      %mul3A_41 = arith.muli %scan3A_39, %mul3A_40 : i32
      %add3A_42 = arith.constant 0 : i32
      %add3A_43 = arith.addi %mul3A_41, %add3A_42 : i32
      %dma_wait3A_44 = arith.constant 0 : i32
      %dma_wait3A_45 = tpu.memref_slice %arg7[%add3A_43, %dma_wait3A_44] : memref<160x64xi32, #tpu.memory_space<vmem>> -> memref<1x64xi32, #tpu.memory_space<vmem>>
      %dma_wait3A_46 = tpu.memref_squeeze %dma_wait3A_45 : memref<1x64xi32, #tpu.memory_space<vmem>> -> memref<64xi32, #tpu.memory_space<vmem>>
      %dma_wait3A_47 = arith.constant 0 : i32
      %dma_wait3A_48 = arith.constant 0 : i32
      %dma_wait3A_49 = tpu.memref_slice %arg2[%dma_wait3A_47, %dma_wait3A_48] : memref<10000x136xf32, #tpu.memory_space<hbm>> -> memref<10000x136xf32, #tpu.memory_space<hbm>>
      tpu.wait_indirect_dma semaphore(%arg12 : memref<!tpu.dma_semaphore, #tpu.memory_space<semaphore_mem>>) src(%dma_wait3A_49 : memref<10000x136xf32, #tpu.memory_space<hbm>>) dst(%arg9 : memref<64x136xf32, #tpu.memory_space<vmem>>)
      "tpu.region"() ({
        %run_scoped3A_76 = tpu.sem_alloc : memref<!tpu.dma_semaphore, #tpu.memory_space<semaphore_mem>>
        %dma_start3A_77 = arith.constant 0 : i32
        %dma_start3A_78 = tpu.memref_slice %arg8[%add3A_43, %dma_start3A_77] : memref<160x64xi32, #tpu.memory_space<vmem>> -> memref<1x64xi32, #tpu.memory_space<vmem>>
        %dma_start3A_79 = tpu.memref_squeeze %dma_start3A_78 : memref<1x64xi32, #tpu.memory_space<vmem>> -> memref<64xi32, #tpu.memory_space<vmem>>
        %dma_start3A_80 = arith.constant 0 : i32
        %dma_start3A_81 = arith.constant 0 : i32
        %dma_start3A_82 = tpu.memref_slice %arg11[%dma_start3A_80, %dma_start3A_81] : memref<10240x136xf32, #tpu.memory_space<vmem_shared>> -> memref<10240x136xf32, #tpu.memory_space<vmem_shared>>
        tpu.enqueue_indirect_dma source(%arg9 : memref<64x136xf32, #tpu.memory_space<vmem>>) target(%dma_start3A_82 : memref<10240x136xf32, #tpu.memory_space<vmem_shared>>) offsets(%dma_start3A_79 : memref<64xi32, #tpu.memory_space<vmem>>) semaphore(%run_scoped3A_76 : memref<!tpu.dma_semaphore, #tpu.memory_space<semaphore_mem>>) {add = true}
        %dma_wait3A_83 = arith.constant 0 : i32
        %dma_wait3A_84 = tpu.memref_slice %arg8[%add3A_43, %dma_wait3A_83] : memref<160x64xi32, #tpu.memory_space<vmem>> -> memref<1x64xi32, #tpu.memory_space<vmem>>
        %dma_wait3A_85 = tpu.memref_squeeze %dma_wait3A_84 : memref<1x64xi32, #tpu.memory_space<vmem>> -> memref<64xi32, #tpu.memory_space<vmem>>
        %dma_wait3A_86 = arith.constant 0 : i32
        %dma_wait3A_87 = arith.constant 0 : i32
        %dma_wait3A_88 = tpu.memref_slice %arg11[%dma_wait3A_86, %dma_wait3A_87] : memref<10240x136xf32, #tpu.memory_space<vmem_shared>> -> memref<10240x136xf32, #tpu.memory_space<vmem_shared>>
        tpu.wait_indirect_dma semaphore(%run_scoped3A_76 : memref<!tpu.dma_semaphore, #tpu.memory_space<semaphore_mem>>) src(%arg9 : memref<64x136xf32, #tpu.memory_space<vmem>>) dst(%dma_wait3A_88 : memref<10240x136xf32, #tpu.memory_space<vmem_shared>>)
        tpu.yield
      }) : () -> ()
      %add3A_50 = arith.constant 2 : i32
      %add3A_51 = arith.addi %add3A_43, %add3A_50 : i32
      %dma_start3A_52 = arith.constant 0 : i32
      %dma_start3A_53 = tpu.memref_slice %arg7[%add3A_51, %dma_start3A_52] : memref<160x64xi32, #tpu.memory_space<vmem>> -> memref<1x64xi32, #tpu.memory_space<vmem>>
      %dma_start3A_54 = tpu.memref_squeeze %dma_start3A_53 : memref<1x64xi32, #tpu.memory_space<vmem>> -> memref<64xi32, #tpu.memory_space<vmem>>
      %dma_start3A_55 = arith.constant 0 : i32
      %dma_start3A_56 = arith.constant 0 : i32
      %dma_start3A_57 = tpu.memref_slice %arg2[%dma_start3A_55, %dma_start3A_56] : memref<10000x136xf32, #tpu.memory_space<hbm>> -> memref<10000x136xf32, #tpu.memory_space<hbm>>
      tpu.enqueue_indirect_dma source(%dma_start3A_57 : memref<10000x136xf32, #tpu.memory_space<hbm>>) target(%arg9 : memref<64x136xf32, #tpu.memory_space<vmem>>) offsets(%dma_start3A_54 : memref<64xi32, #tpu.memory_space<vmem>>) semaphore(%arg12 : memref<!tpu.dma_semaphore, #tpu.memory_space<semaphore_mem>>)
      %mul3A_58 = arith.constant 2 : i32
      %mul3A_59 = arith.muli %scan3A_39, %mul3A_58 : i32
      %add3A_60 = arith.constant 1 : i32
      %add3A_61 = arith.addi %mul3A_59, %add3A_60 : i32
      %dma_wait3A_62 = arith.constant 0 : i32
      %dma_wait3A_63 = tpu.memref_slice %arg7[%add3A_61, %dma_wait3A_62] : memref<160x64xi32, #tpu.memory_space<vmem>> -> memref<1x64xi32, #tpu.memory_space<vmem>>
      %dma_wait3A_64 = tpu.memref_squeeze %dma_wait3A_63 : memref<1x64xi32, #tpu.memory_space<vmem>> -> memref<64xi32, #tpu.memory_space<vmem>>
      %dma_wait3A_65 = arith.constant 0 : i32
      %dma_wait3A_66 = arith.constant 0 : i32
      %dma_wait3A_67 = tpu.memref_slice %arg2[%dma_wait3A_65, %dma_wait3A_66] : memref<10000x136xf32, #tpu.memory_space<hbm>> -> memref<10000x136xf32, #tpu.memory_space<hbm>>
      tpu.wait_indirect_dma semaphore(%arg13 : memref<!tpu.dma_semaphore, #tpu.memory_space<semaphore_mem>>) src(%dma_wait3A_67 : memref<10000x136xf32, #tpu.memory_space<hbm>>) dst(%arg10 : memref<64x136xf32, #tpu.memory_space<vmem>>)
      "tpu.region"() ({
        %run_scoped3A_76 = tpu.sem_alloc : memref<!tpu.dma_semaphore, #tpu.memory_space<semaphore_mem>>
        %dma_start3A_77 = arith.constant 0 : i32
        %dma_start3A_78 = tpu.memref_slice %arg8[%add3A_61, %dma_start3A_77] : memref<160x64xi32, #tpu.memory_space<vmem>> -> memref<1x64xi32, #tpu.memory_space<vmem>>
        %dma_start3A_79 = tpu.memref_squeeze %dma_start3A_78 : memref<1x64xi32, #tpu.memory_space<vmem>> -> memref<64xi32, #tpu.memory_space<vmem>>
        %dma_start3A_80 = arith.constant 0 : i32
        %dma_start3A_81 = arith.constant 0 : i32
        %dma_start3A_82 = tpu.memref_slice %arg11[%dma_start3A_80, %dma_start3A_81] : memref<10240x136xf32, #tpu.memory_space<vmem_shared>> -> memref<10240x136xf32, #tpu.memory_space<vmem_shared>>
        tpu.enqueue_indirect_dma source(%arg10 : memref<64x136xf32, #tpu.memory_space<vmem>>) target(%dma_start3A_82 : memref<10240x136xf32, #tpu.memory_space<vmem_shared>>) offsets(%dma_start3A_79 : memref<64xi32, #tpu.memory_space<vmem>>) semaphore(%run_scoped3A_76 : memref<!tpu.dma_semaphore, #tpu.memory_space<semaphore_mem>>) {add = true}
        %dma_wait3A_83 = arith.constant 0 : i32
        %dma_wait3A_84 = tpu.memref_slice %arg8[%add3A_61, %dma_wait3A_83] : memref<160x64xi32, #tpu.memory_space<vmem>> -> memref<1x64xi32, #tpu.memory_space<vmem>>
        %dma_wait3A_85 = tpu.memref_squeeze %dma_wait3A_84 : memref<1x64xi32, #tpu.memory_space<vmem>> -> memref<64xi32, #tpu.memory_space<vmem>>
        %dma_wait3A_86 = arith.constant 0 : i32
        %dma_wait3A_87 = arith.constant 0 : i32
        %dma_wait3A_88 = tpu.memref_slice %arg11[%dma_wait3A_86, %dma_wait3A_87] : memref<10240x136xf32, #tpu.memory_space<vmem_shared>> -> memref<10240x136xf32, #tpu.memory_space<vmem_shared>>
        tpu.wait_indirect_dma semaphore(%run_scoped3A_76 : memref<!tpu.dma_semaphore, #tpu.memory_space<semaphore_mem>>) src(%arg10 : memref<64x136xf32, #tpu.memory_space<vmem>>) dst(%dma_wait3A_88 : memref<10240x136xf32, #tpu.memory_space<vmem_shared>>)
        tpu.yield
      }) : () -> ()
      %add3A_68 = arith.constant 2 : i32
      %add3A_69 = arith.addi %add3A_61, %add3A_68 : i32
      %dma_start3A_70 = arith.constant 0 : i32
      %dma_start3A_71 = tpu.memref_slice %arg7[%add3A_69, %dma_start3A_70] : memref<160x64xi32, #tpu.memory_space<vmem>> -> memref<1x64xi32, #tpu.memory_space<vmem>>
      %dma_start3A_72 = tpu.memref_squeeze %dma_start3A_71 : memref<1x64xi32, #tpu.memory_space<vmem>> -> memref<64xi32, #tpu.memory_space<vmem>>
      %dma_start3A_73 = arith.constant 0 : i32
      %dma_start3A_74 = arith.constant 0 : i32
      %dma_start3A_75 = tpu.memref_slice %arg2[%dma_start3A_73, %dma_start3A_74] : memref<10000x136xf32, #tpu.memory_space<hbm>> -> memref<10000x136xf32, #tpu.memory_space<hbm>>
      tpu.enqueue_indirect_dma source(%dma_start3A_75 : memref<10000x136xf32, #tpu.memory_space<hbm>>) target(%arg10 : memref<64x136xf32, #tpu.memory_space<vmem>>) offsets(%dma_start3A_72 : memref<64xi32, #tpu.memory_space<vmem>>) semaphore(%arg13 : memref<!tpu.dma_semaphore, #tpu.memory_space<semaphore_mem>>)
    }
    %scan3A_19 = arith.constant 79 : i32
    %dma_wait3A = arith.constant 158 : i32
    %dma_wait3A_20 = arith.constant 0 : i32
    %dma_wait3A_21 = tpu.memref_slice %arg7[%dma_wait3A, %dma_wait3A_20] : memref<160x64xi32, #tpu.memory_space<vmem>> -> memref<1x64xi32, #tpu.memory_space<vmem>>
    %dma_wait3A_22 = tpu.memref_squeeze %dma_wait3A_21 : memref<1x64xi32, #tpu.memory_space<vmem>> -> memref<64xi32, #tpu.memory_space<vmem>>
    %dma_wait3A_23 = arith.constant 0 : i32
    %dma_wait3A_24 = arith.constant 0 : i32
    %dma_wait3A_25 = tpu.memref_slice %arg2[%dma_wait3A_23, %dma_wait3A_24] : memref<10000x136xf32, #tpu.memory_space<hbm>> -> memref<10000x136xf32, #tpu.memory_space<hbm>>
    tpu.wait_indirect_dma semaphore(%arg12 : memref<!tpu.dma_semaphore, #tpu.memory_space<semaphore_mem>>) src(%dma_wait3A_25 : memref<10000x136xf32, #tpu.memory_space<hbm>>) dst(%arg9 : memref<64x136xf32, #tpu.memory_space<vmem>>)
    %run_scoped3A = arith.constant 158 : i32
    "tpu.region"() ({
      %run_scoped3A_39 = tpu.sem_alloc : memref<!tpu.dma_semaphore, #tpu.memory_space<semaphore_mem>>
      %dma_start3A_40 = arith.constant 0 : i32
      %dma_start3A_41 = tpu.memref_slice %arg8[%run_scoped3A, %dma_start3A_40] : memref<160x64xi32, #tpu.memory_space<vmem>> -> memref<1x64xi32, #tpu.memory_space<vmem>>
      %dma_start3A_42 = tpu.memref_squeeze %dma_start3A_41 : memref<1x64xi32, #tpu.memory_space<vmem>> -> memref<64xi32, #tpu.memory_space<vmem>>
      %dma_start3A_43 = arith.constant 0 : i32
      %dma_start3A_44 = arith.constant 0 : i32
      %dma_start3A_45 = tpu.memref_slice %arg11[%dma_start3A_43, %dma_start3A_44] : memref<10240x136xf32, #tpu.memory_space<vmem_shared>> -> memref<10240x136xf32, #tpu.memory_space<vmem_shared>>
      tpu.enqueue_indirect_dma source(%arg9 : memref<64x136xf32, #tpu.memory_space<vmem>>) target(%dma_start3A_45 : memref<10240x136xf32, #tpu.memory_space<vmem_shared>>) offsets(%dma_start3A_42 : memref<64xi32, #tpu.memory_space<vmem>>) semaphore(%run_scoped3A_39 : memref<!tpu.dma_semaphore, #tpu.memory_space<semaphore_mem>>) {add = true}
      %dma_wait3A_46 = arith.constant 0 : i32
      %dma_wait3A_47 = tpu.memref_slice %arg8[%run_scoped3A, %dma_wait3A_46] : memref<160x64xi32, #tpu.memory_space<vmem>> -> memref<1x64xi32, #tpu.memory_space<vmem>>
      %dma_wait3A_48 = tpu.memref_squeeze %dma_wait3A_47 : memref<1x64xi32, #tpu.memory_space<vmem>> -> memref<64xi32, #tpu.memory_space<vmem>>
      %dma_wait3A_49 = arith.constant 0 : i32
      %dma_wait3A_50 = arith.constant 0 : i32
      %dma_wait3A_51 = tpu.memref_slice %arg11[%dma_wait3A_49, %dma_wait3A_50] : memref<10240x136xf32, #tpu.memory_space<vmem_shared>> -> memref<10240x136xf32, #tpu.memory_space<vmem_shared>>
      tpu.wait_indirect_dma semaphore(%run_scoped3A_39 : memref<!tpu.dma_semaphore, #tpu.memory_space<semaphore_mem>>) src(%arg9 : memref<64x136xf32, #tpu.memory_space<vmem>>) dst(%dma_wait3A_51 : memref<10240x136xf32, #tpu.memory_space<vmem_shared>>)
      tpu.yield
    }) : () -> ()
    %dma_wait3A_26 = arith.constant 159 : i32
    %dma_wait3A_27 = arith.constant 0 : i32
    %dma_wait3A_28 = tpu.memref_slice %arg7[%dma_wait3A_26, %dma_wait3A_27] : memref<160x64xi32, #tpu.memory_space<vmem>> -> memref<1x64xi32, #tpu.memory_space<vmem>>
    %dma_wait3A_29 = tpu.memref_squeeze %dma_wait3A_28 : memref<1x64xi32, #tpu.memory_space<vmem>> -> memref<64xi32, #tpu.memory_space<vmem>>
    %dma_wait3A_30 = arith.constant 0 : i32
    %dma_wait3A_31 = arith.constant 0 : i32
    %dma_wait3A_32 = tpu.memref_slice %arg2[%dma_wait3A_30, %dma_wait3A_31] : memref<10000x136xf32, #tpu.memory_space<hbm>> -> memref<10000x136xf32, #tpu.memory_space<hbm>>
    tpu.wait_indirect_dma semaphore(%arg13 : memref<!tpu.dma_semaphore, #tpu.memory_space<semaphore_mem>>) src(%dma_wait3A_32 : memref<10000x136xf32, #tpu.memory_space<hbm>>) dst(%arg10 : memref<64x136xf32, #tpu.memory_space<vmem>>)
    %run_scoped3A_33 = arith.constant 159 : i32
    "tpu.region"() ({
      %run_scoped3A_39 = tpu.sem_alloc : memref<!tpu.dma_semaphore, #tpu.memory_space<semaphore_mem>>
      %dma_start3A_40 = arith.constant 0 : i32
      %dma_start3A_41 = tpu.memref_slice %arg8[%run_scoped3A_33, %dma_start3A_40] : memref<160x64xi32, #tpu.memory_space<vmem>> -> memref<1x64xi32, #tpu.memory_space<vmem>>
      %dma_start3A_42 = tpu.memref_squeeze %dma_start3A_41 : memref<1x64xi32, #tpu.memory_space<vmem>> -> memref<64xi32, #tpu.memory_space<vmem>>
      %dma_start3A_43 = arith.constant 0 : i32
      %dma_start3A_44 = arith.constant 0 : i32
      %dma_start3A_45 = tpu.memref_slice %arg11[%dma_start3A_43, %dma_start3A_44] : memref<10240x136xf32, #tpu.memory_space<vmem_shared>> -> memref<10240x136xf32, #tpu.memory_space<vmem_shared>>
      tpu.enqueue_indirect_dma source(%arg10 : memref<64x136xf32, #tpu.memory_space<vmem>>) target(%dma_start3A_45 : memref<10240x136xf32, #tpu.memory_space<vmem_shared>>) offsets(%dma_start3A_42 : memref<64xi32, #tpu.memory_space<vmem>>) semaphore(%run_scoped3A_39 : memref<!tpu.dma_semaphore, #tpu.memory_space<semaphore_mem>>) {add = true}
      %dma_wait3A_46 = arith.constant 0 : i32
      %dma_wait3A_47 = tpu.memref_slice %arg8[%run_scoped3A_33, %dma_wait3A_46] : memref<160x64xi32, #tpu.memory_space<vmem>> -> memref<1x64xi32, #tpu.memory_space<vmem>>
      %dma_wait3A_48 = tpu.memref_squeeze %dma_wait3A_47 : memref<1x64xi32, #tpu.memory_space<vmem>> -> memref<64xi32, #tpu.memory_space<vmem>>
      %dma_wait3A_49 = arith.constant 0 : i32
      %dma_wait3A_50 = arith.constant 0 : i32
      %dma_wait3A_51 = tpu.memref_slice %arg11[%dma_wait3A_49, %dma_wait3A_50] : memref<10240x136xf32, #tpu.memory_space<vmem_shared>> -> memref<10240x136xf32, #tpu.memory_space<vmem_shared>>
      tpu.wait_indirect_dma semaphore(%run_scoped3A_39 : memref<!tpu.dma_semaphore, #tpu.memory_space<semaphore_mem>>) src(%arg10 : memref<64x136xf32, #tpu.memory_space<vmem>>) dst(%dma_wait3A_51 : memref<10240x136xf32, #tpu.memory_space<vmem_shared>>)
      tpu.yield
    }) : () -> ()
    %barrier3A_34 = arith.constant 0 : index
    tpu.barrier barrier_id(%barrier3A_34)
    %mul3A_35 = arith.constant 640 : i32
    %mul3A_36 = arith.muli %arg1, %mul3A_35 : i32
    %mul3A_37 = arith.constant 640 : i32
    %mul3A_38 = arith.muli %arg1, %mul3A_37 : i32
    "tpu.region"() ({
      %run_scoped3A_39 = tpu.sem_alloc : memref<!tpu.dma_semaphore, #tpu.memory_space<semaphore_mem>>
      %dma_start3A_40 = arith.constant 0 : i32
      %dma_start3A_41 = tpu.memref_slice %arg6[%arg0, %mul3A_38, %dma_start3A_40] : memref<2x10240x136xf32, #tpu.memory_space<hbm>> -> memref<1x640x136xf32, #tpu.memory_space<hbm>>
      %dma_start3A_42 = tpu.memref_squeeze %dma_start3A_41 : memref<1x640x136xf32, #tpu.memory_space<hbm>> -> memref<640x136xf32, #tpu.memory_space<hbm>>
      %dma_start3A_43 = arith.constant 0 : i32
      %dma_start3A_44 = tpu.memref_slice %arg11[%mul3A_36, %dma_start3A_43] : memref<10240x136xf32, #tpu.memory_space<vmem_shared>> -> memref<640x136xf32, #tpu.memory_space<vmem_shared>>
      tpu.enqueue_dma source(%dma_start3A_44 : memref<640x136xf32, #tpu.memory_space<vmem_shared>>) target(%dma_start3A_42 : memref<640x136xf32, #tpu.memory_space<hbm>>) target_semaphore(%run_scoped3A_39 : memref<!tpu.dma_semaphore, #tpu.memory_space<semaphore_mem>>)
      %dma_wait3A_45 = arith.constant 0 : i32
      %dma_wait3A_46 = tpu.memref_slice %arg6[%arg0, %mul3A_38, %dma_wait3A_45] : memref<2x10240x136xf32, #tpu.memory_space<hbm>> -> memref<1x640x136xf32, #tpu.memory_space<hbm>>
      %dma_wait3A_47 = tpu.memref_squeeze %dma_wait3A_46 : memref<1x640x136xf32, #tpu.memory_space<hbm>> -> memref<640x136xf32, #tpu.memory_space<hbm>>
      %dma_wait3A_48 = arith.constant 0 : i32
      %dma_wait3A_49 = tpu.memref_slice %arg11[%mul3A_36, %dma_wait3A_48] : memref<10240x136xf32, #tpu.memory_space<vmem_shared>> -> memref<640x136xf32, #tpu.memory_space<vmem_shared>>
      tpu.wait_dma2 semaphore(%run_scoped3A_39 : memref<!tpu.dma_semaphore, #tpu.memory_space<semaphore_mem>>) src(%dma_wait3A_49 : memref<640x136xf32, #tpu.memory_space<vmem_shared>>) dst(%dma_wait3A_47 : memref<640x136xf32, #tpu.memory_space<hbm>>)
      tpu.yield
    }) : () -> ()
    return
  }
}

module attributes {stable_mosaic.version = 14 : i64} {
  func.func @_tc_body(%arg0: i32, %arg1: memref<2000x128xf32, #tpu.memory_space<vmem>>, %arg2: memref<2x2000x136xf32, #tpu.memory_space<vmem>>, %arg3: memref<128x128xf32, #tpu.memory_space<vmem>>, %arg4: memref<1x128xf32, #tpu.memory_space<vmem>>, %arg5: memref<2000x128xf32, #tpu.memory_space<vmem>>) attributes {dimension_semantics = [#tpu.dimension_semantics<arbitrary>], iteration_bounds = array<i64: 5>, scalar_prefetch = 0 : i64, scratch_operands = 0 : i64, tpu.core_type = #tpu.core_type<tc>, window_params = [{transform_indices = @transform_0, window_bounds = array<i64: 2000, 128>}, {transform_indices = @transform_1, window_bounds = array<i64: 2, 2000, 136>}, {pipeline_mode = #tpu.pipeline_mode<synchronous>, transform_indices = @transform_2, window_bounds = array<i64: 128, 128>}, {pipeline_mode = #tpu.pipeline_mode<synchronous>, transform_indices = @transform_3, window_bounds = array<i64: 1, 128>}, {transform_indices = @transform_4, window_bounds = array<i64: 2000, 128>}]} {
    %get3A = arith.constant 0 : index
    %get3A_0 = arith.constant 0 : index
    %get3A_1 = arith.constant 0 : index
    %get3A_2 = vector.load %arg2[%get3A, %get3A_0, %get3A_1] : memref<2x2000x136xf32, #tpu.memory_space<vmem>>, vector<1x2000x136xf32>
    %get3A_3 = vector.shape_cast %get3A_2 : vector<1x2000x136xf32> to vector<2000x136xf32>
    %get3A_4 = arith.constant 1 : index
    %get3A_5 = arith.constant 0 : index
    %get3A_6 = arith.constant 0 : index
    %get3A_7 = vector.load %arg2[%get3A_4, %get3A_5, %get3A_6] : memref<2x2000x136xf32, #tpu.memory_space<vmem>>, vector<1x2000x136xf32>
    %get3A_8 = vector.shape_cast %get3A_7 : vector<1x2000x136xf32> to vector<2000x136xf32>
    %add3A = arith.addf %get3A_3, %get3A_8 : vector<2000x136xf32>
    %slice3A = vector.extract_strided_slice %add3A {offsets = [0, 128], sizes = [2000, 1], strides = [1, 1]} : vector<2000x136xf32> to vector<2000x1xf32>
    %max3A = arith.constant 1.000000e+00 : f32
    %max3A_9 = vector.broadcast %max3A : f32 to vector<2000x1xf32>
    %max3A_10 = arith.maximumf %slice3A, %max3A_9 : vector<2000x1xf32>
    %get3A_11 = arith.constant 0 : index
    %get3A_12 = arith.constant 0 : index
    %get3A_13 = vector.load %arg1[%get3A_11, %get3A_12] : memref<2000x128xf32, #tpu.memory_space<vmem>>, vector<2000x128xf32>
    %slice3A_14 = vector.extract_strided_slice %add3A {offsets = [0, 0], sizes = [2000, 128], strides = [1, 1]} : vector<2000x136xf32> to vector<2000x128xf32>
    %div3A = vector.broadcast %max3A_10 : vector<2000x1xf32> to vector<2000x128xf32>
    %div3A_15 = arith.divf %slice3A_14, %div3A : vector<2000x128xf32>
    %add3A_16 = arith.addf %get3A_13, %div3A_15 : vector<2000x128xf32>
    %get3A_17 = arith.constant 0 : index
    %get3A_18 = arith.constant 0 : index
    %get3A_19 = vector.load %arg3[%get3A_17, %get3A_18] : memref<128x128xf32, #tpu.memory_space<vmem>>, vector<128x128xf32>
    %dot_general3A = arith.constant dense<0.000000e+00> : vector<2000x128xf32>
    %dot_general3A_20 = tpu.matmul %add3A_16, %get3A_19, %dot_general3A {dimension_numbers = #tpu.dot_dimension_numbers<[1], [0], [0], [1], [0, 0, 1, 1], [], []>, transpose_lhs_hint = false} : vector<2000x128xf32>, vector<128x128xf32>, vector<2000x128xf32> -> vector<2000x128xf32>
    %get3A_21 = arith.constant 0 : index
    %get3A_22 = arith.constant 0 : index
    %get3A_23 = vector.load %arg4[%get3A_21, %get3A_22] : memref<1x128xf32, #tpu.memory_space<vmem>>, vector<1x128xf32>
    %add3A_24 = vector.broadcast %get3A_23 : vector<1x128xf32> to vector<2000x128xf32>
    %add3A_25 = arith.addf %dot_general3A_20, %add3A_24 : vector<2000x128xf32>
    %logistic3A = arith.negf %add3A_25 : vector<2000x128xf32>
    %logistic3A_26 = math.exp %logistic3A : vector<2000x128xf32>
    %logistic3A_27 = arith.constant 1.000000e+00 : f32
    %logistic3A_28 = vector.broadcast %logistic3A_27 : f32 to vector<2000x128xf32>
    %logistic3A_29 = arith.addf %logistic3A_28, %logistic3A_26 : vector<2000x128xf32>
    %logistic3A_30 = arith.divf %logistic3A_28, %logistic3A_29 : vector<2000x128xf32>
    %swap3A = arith.constant 0 : index
    %swap3A_31 = arith.constant 0 : index
    %swap3A_32 = vector.load %arg5[%swap3A, %swap3A_31] : memref<2000x128xf32, #tpu.memory_space<vmem>>, vector<2000x128xf32>
    tpu.vector_store %arg5[%swap3A, %swap3A_31], %logistic3A_30 {strides = array<i32>} : memref<2000x128xf32, #tpu.memory_space<vmem>>, vector<2000x128xf32>,
    return
  }
  func.func @transform_0(%arg0: i32) -> (i32, i32) {
    %c0_i32 = arith.constant 0 : i32
    %c0_i32_0 = arith.constant 0 : i32
    return %arg0, %c0_i32 : i32, i32
  }
  func.func @transform_1(%arg0: i32) -> (i32, i32, i32) {
    %c0_i32 = arith.constant 0 : i32
    %c0_i32_0 = arith.constant 0 : i32
    %c0_i32_1 = arith.constant 0 : i32
    return %c0_i32, %arg0, %c0_i32_0 : i32, i32, i32
  }
  func.func @transform_2(%arg0: i32) -> (i32, i32) {
    %c0_i32 = arith.constant 0 : i32
    %c0_i32_0 = arith.constant 0 : i32
    %c0_i32_1 = arith.constant 0 : i32
    return %c0_i32, %c0_i32_0 : i32, i32
  }
  func.func @transform_3(%arg0: i32) -> (i32, i32) {
    %c0_i32 = arith.constant 0 : i32
    %c0_i32_0 = arith.constant 0 : i32
    %c0_i32_1 = arith.constant 0 : i32
    return %c0_i32, %c0_i32_0 : i32, i32
  }
  func.func @transform_4(%arg0: i32) -> (i32, i32) {
    %c0_i32 = arith.constant 0 : i32
    %c0_i32_0 = arith.constant 0 : i32
    return %arg0, %c0_i32 : i32, i32
  }
}

</mosaic_0001>

<sc_bundles>
// kernel: kernel.4.cloned.1.call-start
scs
__scs_entry_jumppad:
0x0: {  	(pc) =	sbr.rel $0x88, $3  }
0x1: {  	(tag) =	ssettag $0x0;
	lr =	simm.s32 $0x1  }
0x2: {  	[smem:$0x3F9D] =	sst lr;
	_ =	strace $0xD0000000  }
0x3: {  	_ = 	snop  }
0x4: {  	_ = 	snop  }
0x5: {  	_ = 	snop  }
0x6: {  	_ = 	snop  }
0x7: {  	_ = 	snop  }
__scs_overlays_trampoline_lowered:
0x8: {  	[smem:$0x3FAC] =	sst s0  }
0x9: {  	[smem:$0x3FAD] =	sst s1  }
0xa: {  	[smem:$0x3FAE] =	sst s2  }
0xb: {  	[smem:$0x3FAF] =	sst s3  }
0xc: {  	[smem:$0x3FB0] =	sst s4  }
0xd: {  	[smem:$0x3FB1] =	sst s5  }
0xe: {  	[smem:$0x3FB2] =	sst s6  }
0xf: {  	[smem:$0x3FB3] =	sst s7  }
0x10: {  	[smem:$0x3FB4] =	sst s8  }
0x11: {  	[smem:$0x3FB5] =	sst s9;
	s0 =	simm.s32 @!p0 $0x0  }
0x12: {  	s1 =	sld [smem:$0x3F9B];
	s0 =	simm.s32 @p0 $0x1  }
0x13: {  	[smem:$0x3FB6] =	sst s0;
	s0 =	simm.s32 @!p1 $0x0  }
0x14: {  	s2 =	sld [smem:$0x3F9A];
	s0 =	simm.s32 @p1 $0x1  }
0x15: {  	[smem:$0x3FB7] =	sst s0;
	s0 =	simm.s32 @!p2 $0x0  }
0x16: {  	s3 =	sld [smem:$0x3FDB];
	s0 =	simm.s32 @p2 $0x1  }
0x17: {  	s4 =	simm.s32 $0x1BF5;
	[smem:$0x3FB9] =	sst s0  }
0x18: {  	s0 =	sld [smem:$0x3F9C];
	_ =	swait.ge [sflag:s4], $0x0  }
0x19: {  	s7 =	sld [smem:$0x3F9D]  }
0x1a: {  	s8 =	sadd.s32 $0xFFFFE003, lr  }
0x1b: {  	s9 =	sadd.s32 $0xFFFFFEF7, lr;
	s5 =	simm.s32 $0xFFFFFFFF;
	p2 =	slt.u32 s8, $0xFFFFF086  }
0x1c: {  	p1 =	slt.u32 s9, $0xF7A;
	s5 =	simm.s32 @!p2 $0x0  }
0x1d: {  	s5 =	simm.s32 @p1 $0x1;
	p0 =	seq.s32 s7, s2  }
0x1e: {  	s7 =	smul.u32 @!p0 $0xF7A, s2;
	p2 =	seq.s32 @!p0 s5, $0x0  }
0x1f: {  	s9 =	smul.u32 $0xF7A, s1;
	s8 =	simm.s32 @!p0 $0x1BF5;
	p2 =	por !p2, p0  }
0x20: {  	[sflag:s8] =	ssyncset.s32 @!p0 $0xFFFFF086;
	s6 =	sadd.s32 @!p0 s3, s7;
	s7 =	simm.s32 @!p0 $0x108  }
0x21: {  	s3 =	sadd.s32 s3, s9;
	s6 =	sadd.s32 @!p0 $0x88, s6;
	s7 =	simm.s32 @p2 $0x1082  }
0x22: {  	[simem:s7], [sflag:s8] =	dma.local @!p0 [hbm:s6], $0xF7A  }
0x23: {  	s9 =	sor.u32 $0xD0000000, s2;
	s6 =	simm.s32 $0x108;
	_ =	swait.ge @!p0 [sflag:s8], $0x0  }
0x24: {  	s3 =	sadd.s32 $0x88, s3;
	s6 =	simm.s32 @!p1 $0x1082;
	[sflag:s4] =	ssyncset.s32 $0xFFFFF086  }
0x25: {  	[simem:s6], [sflag:s4] =	dma.local [hbm:s3], $0xF7A  }
0x26: {  	[smem:$0x3F9D] =	sst s1;
	(tag) =	ssettag s2;
	_ =	strace s9  }
0x27: {  	s1 =	sld [smem:$0x3FAD]  }
0x28: {  	s2 =	sld [smem:$0x3FAE]  }
0x29: {  	s4 =	sld [smem:$0x3FB0]  }
0x2a: {  	p0 =	seq.s32 s5, $0x0;
	s5 =	sld [smem:$0x3FB1]  }
0x2b: {  	s6 =	sld [smem:$0x3FB2]  }
0x2c: {  	s7 =	sld [smem:$0x3FB3]  }
0x2d: {  	s3 =	simm.s32 $0x108;
	s8 =	sld [smem:$0x3FB4]  }
0x2e: {  	s3 =	simm.s32 @!p0 $0x1082;
	s9 =	sld [smem:$0x3FB5]  }
0x2f: {  	lr =	sadd.s32 s0, s3;
	s0 =	sld [smem:$0x3FAC]  }
0x30: {  	s3 =	sld [smem:$0x3FAF]  }
0x31: {  	[smem:$0x3FB8] =	sst s10  }
0x32: {  	s10 =	sld [smem:$0x3FB6];
	_ =	sdelay $0x3  }
0x33: {  	p0 =	seq.s32 s10, $0x1;
	s10 =	sld [smem:$0x3FB8];
	_ =	sdelay $0x3  }
0x34: {  	[smem:$0x3FB8] =	sst s10  }
0x35: {  	s10 =	sld [smem:$0x3FB7];
	_ =	sdelay $0x3  }
0x36: {  	p1 =	seq.s32 s10, $0x1;
	s10 =	sld [smem:$0x3FB8];
	_ =	sdelay $0x3  }
0x37: {  	[smem:$0x3FB8] =	sst s10  }
0x38: {  	s10 =	sld [smem:$0x3FB9]  }
0x39: {  	_ = 	snop;
	(pc) =	sbr.ind lr, $3  }
0x3a: {  	_ = 	snop  }
0x3b: {  	_ = 	snop  }
0x3c: {  	p2 =	seq.s32 s10, $0x1;
	s10 =	sld [smem:$0x3FB8]  }
0x3d: {  	_ =	shalt  }
0x3e: {  	_ =	shalt  }
0x3f: {  	_ =	shalt  }
0x40: {  	_ =	shalt  }
0x41: {  	_ =	shalt  }
0x42: {  	_ =	shalt  }
0x43: {  	_ =	shalt  }
0x44: {  	_ =	shalt  }
0x45: {  	_ =	shalt  }
0x46: {  	_ =	shalt  }
0x47: {  	_ =	shalt  }
0x48: {  	_ =	shalt  }
0x49: {  	_ =	shalt  }
0x4a: {  	_ =	shalt  }
0x4b: {  	_ =	shalt  }
0x4c: {  	_ =	shalt  }
0x4d: {  	_ =	shalt  }
0x4e: {  	_ =	shalt  }
0x4f: {  	_ =	shalt  }
0x50: {  	_ =	shalt  }
0x51: {  	_ =	shalt  }
0x52: {  	_ =	shalt  }
0x53: {  	_ =	shalt  }
0x54: {  	_ =	shalt  }
0x55: {  	_ =	shalt  }
0x56: {  	_ =	shalt  }
0x57: {  	_ =	shalt  }
0x58: {  	_ =	shalt  }
0x59: {  	_ =	shalt  }
0x5a: {  	_ =	shalt  }
0x5b: {  	_ =	shalt  }
0x5c: {  	_ =	shalt  }
0x5d: {  	_ =	shalt  }
0x5e: {  	_ =	shalt  }
0x5f: {  	_ =	shalt  }
0x60: {  	_ =	shalt  }
0x61: {  	_ =	shalt  }
0x62: {  	_ =	shalt  }
0x63: {  	_ =	shalt  }
0x64: {  	_ =	shalt  }
0x65: {  	_ =	shalt  }
0x66: {  	_ =	shalt  }
0x67: {  	_ =	shalt  }
0x68: {  	_ =	shalt  }
0x69: {  	_ =	shalt  }
0x6a: {  	_ =	shalt  }
0x6b: {  	_ =	shalt  }
0x6c: {  	_ =	shalt  }
0x6d: {  	_ =	shalt  }
0x6e: {  	_ =	shalt  }
0x6f: {  	_ =	shalt  }
0x70: {  	_ =	shalt  }
0x71: {  	_ =	shalt  }
0x72: {  	_ =	shalt  }
0x73: {  	_ =	shalt  }
0x74: {  	_ =	shalt  }
0x75: {  	_ =	shalt  }
0x76: {  	_ =	shalt  }
0x77: {  	_ =	shalt  }
0x78: {  	_ =	shalt  }
0x79: {  	_ =	shalt  }
0x7a: {  	_ =	shalt  }
0x7b: {  	_ =	shalt  }
0x7c: {  	_ =	shalt  }
0x7d: {  	_ =	shalt  }
0x7e: {  	_ =	shalt  }
0x7f: {  	_ =	shalt  }
0x80: {  	_ =	shalt  }
0x81: {  	_ =	shalt  }
0x82: {  	_ =	shalt  }
0x83: {  	_ =	shalt  }
0x84: {  	_ =	shalt  }
0x85: {  	_ =	shalt  }
0x86: {  	_ =	shalt  }
0x87: {  	_ =	shalt  }
.Lfunc_end0:
.L_simem_size_0:
called_computation_lowered:
.L_overlay_start_0:
0x88: {  	s2 =	sld [smem:$0x3FD9]  }
0x89: {  	s3 =	sld [smem:$0x3FFE];
	_ =	sdelay $0x1  }
0x8a: {  	s1 =	srdreg.scid  }
0x8b: {  	s0 =	sand.u32 $0x1, s1  }
0x8c: {  	s17 =	sshll.u32 s0, $0xA;
	s2 =	sadd.s32 s3, s2  }
0x8d: {  	s2 =	sadd.s32 s2, s17  }
0x8e: {  	[smem:$0x3FC4] =	sst s2  }
0x8f: {  	_ = 	snop  }
0x90: {  	s2 =	sld [smem:$0x3FD0];
	(tm) =	ssettm $0x1  }
0x91: {  	s18 =	sld [smem:$0x3FFB];
	_ =	sdelay $0x3  }
0x92: {  	_ =	strace s18  }
0x93: {  	s3 =	sld [smem:$0x3FFC];
	_ =	sdelay $0x3  }
0x94: {  	_ =	strace s3  }
0x95: {  	s3 =	sld [smem:$0x3FFD];
	_ =	sdelay $0x3  }
0x96: {  	_ =	strace s3  }
0x97: {  	_ =	strace $0x8FFFFFFF  }
0x98: {  	s19 =	sld [smem:$0x3FDB];
	_ =	sdelay $0x1  }
0x99: {  	s4 =	simm.s32 $_scs_section_size  }
0x9a: {  	s5 =	simm.s32 $_size__tile_overlayer_lowered;
	s6 =	simm.s32 $_tile_overlayer_lowered  }
0x9b: {  	s22 =	simm.s32 $0x1BFF;
	s21 =	sshll.u32 s6, $0x1;
	s3 =	sadd.s32 s4, s19  }
0x9c: {  	s7 =	simm.s32 $0x0;
	s20 =	sshll.u32 s5, $0x1;
	s5 =	sadd.s32 s21, s3  }
0x9d: {  	[timem:s7], [sflag:s22] =	dma.local [hbm:s5], s20  }
0x9e: {  	_ =	swait.ge [sflag:s22], s20  }
0x9f: {  	s4 =	ssub.s32 $0x0, s20;
	[sflag:s22] =	ssyncset.done $0x0  }
0xa0: {  	[sflag:s22] =	ssyncadd.s32 s4;
	_ =	sdelay $0x1  }
0xa1: {  	s23 =	simm.s32 $0x1B8B  }
0xa2: {  	_ =	swait.ge [sflag:s23], $0x1  }
0xa3: {  	[sflag:s23] =	ssyncset.done $0x0  }
0xa4: {  	s25 =	simm.s32 $0x1B8E;
	s24 =	sld [smem:$0x3FFE];
	[sflag:s23] =	ssyncadd.s32 $0xFFFFFFFF  }
0xa5: {  	s26 =	simm.s32 $execute0_lowered;
	[smem:$0x3FD2] =	sst s25  }
0xa6: {  	s5 =	sshll.u32 s26, $0x1;
	_ =	strace $0x80000046;
	[dreg:$0x1] =	wrdreg $0xFFFFFFFF  }
0xa7: {  	s28 =	simm.s32 $_size_execute0_lowered;
	s3 =	sadd.s32 s3, s5;
	[dreg:$0x0] =	wrdreg $0x0  }
0xa8: {  	s5 =	sshll.u32 s28, $0x1;
	[dreg:$0x2] =	wrdreg s3  }
0xa9: {  	[dreg:$0x3] =	wrdreg s5  }
0xaa: {  	[dreg:$0x4] =	wrdreg $0xC0  }
0xab: {  	_ =	task [dreg:s7], $0x5FFFF  }
0xac: {  	[dreg:$0x1] =	wrdreg $0xFFFFFFFF  }
0xad: {  	[dreg:$0x0] =	wrdreg $0x60  }
0xae: {  	[dreg:$0x2] =	wrdreg s24  }
0xaf: {  	[dreg:$0x3] =	wrdreg s2  }
0xb0: {  	[dreg:$0x4] =	wrdreg $0x94000  }
0xb1: {  	[dreg:$0x5] =	wrdreg $0x9  }
0xb2: {  	_ =	task.clear_ibuf [dreg:s7], $0x6FFFF;
	_ =	strace $0x90000046  }
0xb3: {  	s29 =	simm.s32 $0x9;
	_ =	strace $0x80000048  }
0xb4: {  	_ =	swait.ge [sflag:s29], $0x1  }
0xb5: {  	[sflag:s29] =	ssyncadd.s32 $0xFFFFFFFF  }
0xb6: {  	_ =	strace $0x90000048  }
0xb7: {  	_ =	sfence  }
0xb8: {  	s30 =	sld [smem:$0x0];
	_ =	sdelay $0x2  }
0xb9: {  	s31 =	sshll.u32 s1, $0xD;
	s1 =	sshrl.u32 s1, $0x2  }
0xba: {  	s3 =	sand.u32 $0x4000, s31;
	s1 =	sadd.s32 s1, s30  }
0xbb: {  	s0 =	sor.u32 s3, s0;
	s1 =	sshll.u32 s1, $0x11  }
0xbc: {  	s0 =	sor.u32 s1, s0  }
0xbd: {  	s0 =	sadd.s32 $0x8F2B, s0  }
0xbe: {  	[sflag:s0] =	ssyncadd.remote.s32 $0x1  }
0xbf: {  	_ =	sfence.sel $0xFFFF  }
0xc0: {  	[dreg:$0x0] =	wrdreg $0xFFFFFFFF;
	(pc) =	sbr.abs _section_cstart, $3  }
0xc1: {  	[dreg:$0x1] =	wrdreg $0xFFFFFFFF  }
0xc2: {  	_ =	task.clear_ibuf [dreg:s7], $0x2FFFF;
	_ =	strace $0x9FFFFFFF  }
0xc3: {  	(tm) =	ssettm $0x7FFFFFFF  }
tec
execute0_lowered:
.L_overlay_start_1:
0x0: {  	(tag) =	ssettag $0x1  }
0x1: {  	s6 =	rddreg [dreg:$0x0]  }
0x2: {  	s1 =	srdreg.scid;
	s8 =	rddreg [dreg:$0x1]  }
0x3: {  	s0 =	stileid.u32;
	s2 =	rddreg [dreg:$0x2];
	s3 =	simm.s32 $0x0  }
0x4: {  	s16 =	simm.s32 $0x7200;
	s17 =	simm.s32 $0x1;
	s18 =	simm.s32 $0x2  }
0x5: {  	s19 =	simm.s32 $0x4F80;
	s20 =	simm.s32 $0x4FC0;
	s21 =	simm.s32 $0x0  }
0x6: {  	s7 =	sand.u32 $0x1, s1;
	s30 =	sshll.u32 s0, $0x1;
	s10 =	smul.u32 $0x15400, s0  }
0x7: {  	[smem:$0x7FF] =	sst s3;
	s4 =	sadd.s32 $0x200, s6;
	s13 =	sshll.u32 s0, $0x6  }
0x8: {  	s1 =	sor.u32 s7, s30;
	s5 =	smul.u32 $0x154000, s7;
	s7 =	ssub.s32 $0x2, s7  }
0x9: {  	s9 =	smul.u32 $0x500, s1;
	s1 =	rddreg [dreg:$0x3];
	_ =	strace $0x80000047  }
0xa: {  	s31 =	sshrl.u32 s7, $0x1;
	s15 =	sadd.s32 s10, s2;
	s12 =	sadd.s32 s10, s5  }
0xb: {  	s5 =	sadd.s32 $0x33C00, s6;
	s14 =	ssub.s32 s7, s31;
	s11 =	sadd.s32 s9, s6  }
0xc: {  	s12 =	sshrl.u32 s12, $0x3;
	s7 =	sadd.s32 s8, s9;
	s10 =	smax.u32 s14, $0x1  }
0xd: {  	s14 =	simm.s32 $0x40;
	s12 =	sadd.s32 s12, s6;
	s6 =	sor.u32 $0x1C03, s13  }
0xe: {  	s8 =	sadd.s32 $0x29C00, s11;
	s11 =	sshrl.u32 s15, $0x3;
	s13 =	simm.s32 $0x2800  }
0xf: {  	s15 =	simm.s32 $0x5000;
	s9 =	sadd.s32 $0x36800, s12;
	s12 =	simm.s32 $0x3  }
.LBB2_1:
0x10: {  	[spmem:s11], [sflag:s6] =	dma.local [hbm:s5], $0x2A80  }
0x11: {  	_ =	swait.ge [sflag:s12], $0x2A80  }
0x12: {  	[sflag:s12] =	ssyncset.done $0x0  }
0x13: {  	[sflag:s12] =	ssyncadd.s32 $0xFFFFD580  }
0x14: {  	[tilespmem:s3], [sflag:$0x3] =	stream.linear.gather [hbm4b:s7+s3], $0x2800, $0x38;
	[tilespmem:$0x1E800] =	vst v63  }
0x15: {  	_ =	swait.ge [sflag:s12], $0x2800  }
0x16: {  	[sflag:s12] =	ssyncset.done $0x0  }
0x17: {  	[sflag:s12] =	ssyncadd.s32 $0xFFFFD800  }
0x18: {  	[tilespmem:s13], [sflag:$0x3] =	stream.linear.gather [hbm4b:s8+s3], $0x2800, $0x38;
	[tilespmem:$0x1E800] =	vst v63  }
0x19: {  	_ =	swait.ge [sflag:s12], $0x2800  }
0x1a: {  	[sflag:s12] =	ssyncset.done $0x0  }
0x1b: {  	[sflag:s12] =	ssyncadd.s32 $0xFFFFD800  }
0x1c: {  	[bflag:$0x0] =	sbarrier.arrive $0xFFFF  }
0x1d: {  	[tilespmem:s15], [sflag:$0x1] =	stream.indirect.gather [hbm4b:s4+s14], $0x88, s3, s14, $0xb8;
	[tilespmem:$0x1E800] =	vst v63  }
0x1e: {  	_ = 	snop  }
0x1f: {  	[tilespmem:s16], [sflag:$0x2] =	stream.indirect.gather [hbm4b:s4+s14], $0x88, s14, s14, $0xb8;
	[tilespmem:$0x1E800] =	vst v63  }
0x20: {  	_ =	swait.ge [sflag:s17], $0x2200  }
0x21: {  	[sflag:s17] =	ssyncset.done $0x0  }
0x22: {  	s22 =	simm.s32 $0x2800;
	[sflag:s17] =	ssyncadd.s32 $0xFFFFDE00  }
0x23: {  	[spmem:s2] =	stream.indirect.scatter.add.f32 [tilespmem:s15], [sflag:$0x3], $0x88, s22, s14, $0xb8;
	[tilespmem:$0x1E800] =	vst v63  }
0x24: {  	_ =	swait.ge [sflag:s12], $0x2200  }
0x25: {  	[sflag:s12] =	ssyncset.done $0x0  }
0x26: {  	s30 =	simm.s32 $0x80;
	[sflag:s12] =	ssyncadd.s32 $0xFFFFDE00  }
0x27: {  	[tilespmem:s15], [sflag:$0x1] =	stream.indirect.gather [hbm4b:s4+s14], $0x88, s30, s14, $0xb8;
	[tilespmem:$0x1E800] =	vst v63  }
0x28: {  	_ =	swait.ge [sflag:s18], $0x2200  }
0x29: {  	[sflag:s18] =	ssyncset.done $0x0  }
0x2a: {  	s31 =	simm.s32 $0x2840;
	[sflag:s18] =	ssyncadd.s32 $0xFFFFDE00  }
0x2b: {  	[spmem:s2] =	stream.indirect.scatter.add.f32 [tilespmem:s16], [sflag:$0x3], $0x88, s31, s14, $0xb8;
	[tilespmem:$0x1E800] =	vst v63  }
0x2c: {  	_ =	swait.ge [sflag:s12], $0x2200  }
0x2d: {  	[sflag:s12] =	ssyncset.done $0x0  }
0x2e: {  	s23 =	simm.s32 $0xC0;
	s22 =	simm.s32 $0x200;
	[sflag:s12] =	ssyncadd.s32 $0xFFFFDE00  }
.LBB2_2:
0x2f: {  	[tilespmem:s16], [sflag:$0x2] =	stream.indirect.gather [hbm4b:s4+s14], $0x88, s23, s14, $0xb8;
	[tilespmem:$0x1E800] =	vst v63  }
0x30: {  	s23 =	smov.u32 s22  }
0x31: {  	p0 =	sne.s32 s22, $0x9C00;
	s22 =	sadd.s32 $0x200, s22;
	_ =	swait.ge [sflag:s17], $0x2200  }
0x32: {  	s23 =	sshra.s32 s23, $0x2;
	[sflag:s17] =	ssyncset.done $0x0  }
0x33: {  	s24 =	sadd.s32 $0x2800, s23;
	[sflag:s17] =	ssyncadd.s32 $0xFFFFDE00  }
0x34: {  	[spmem:s2] =	stream.indirect.scatter.add.f32 [tilespmem:s15], [sflag:$0x3], $0x88, s24, s14, $0xb8;
	[tilespmem:$0x1E800] =	vst v63  }
0x35: {  	_ =	swait.ge [sflag:s12], $0x2200  }
0x36: {  	[sflag:s12] =	ssyncset.done $0x0  }
0x37: {  	s24 =	sadd.s32 $0x80, s23;
	[sflag:s12] =	ssyncadd.s32 $0xFFFFDE00  }
0x38: {  	[tilespmem:s15], [sflag:$0x1] =	stream.indirect.gather [hbm4b:s4+s14], $0x88, s24, s14, $0xb8;
	[tilespmem:$0x1E800] =	vst v63  }
0x39: {  	_ =	swait.ge [sflag:s18], $0x2200  }
0x3a: {  	[sflag:s18] =	ssyncset.done $0x0  }
.Ltmp0:
0x3b: {  	s24 =	sadd.s32 $0x2840, s23;
	[sflag:s18] =	ssyncadd.s32 $0xFFFFDE00;
	(pc) =	sbr.rel @p0 .LBB2_2-.Ltmp0, $4  }
0x3c: {  	[spmem:s2] =	stream.indirect.scatter.add.f32 [tilespmem:s16], [sflag:$0x3], $0x88, s24, s14, $0xb8;
	[tilespmem:$0x1E800] =	vst v63  }
0x3d: {  	_ =	swait.ge [sflag:s12], $0x2200  }
0x3e: {  	[sflag:s12] =	ssyncset.done $0x0  }
0x3f: {  	s23 =	sadd.s32 $0xC0, s23;
	[sflag:s12] =	ssyncadd.s32 $0xFFFFDE00  }
0x40: {  	[tilespmem:s16], [sflag:$0x2] =	stream.indirect.gather [hbm4b:s4+s14], $0x88, s23, s14, $0xb8;
	[tilespmem:$0x1E800] =	vst v63  }
0x41: {  	_ =	swait.ge [sflag:s17], $0x2200  }
0x42: {  	[sflag:s17] =	ssyncset.done $0x0  }
0x43: {  	[sflag:s17] =	ssyncadd.s32 $0xFFFFDE00  }
0x44: {  	[spmem:s2] =	stream.indirect.scatter.add.f32 [tilespmem:s15], [sflag:$0x3], $0x88, s19, s14, $0xb8;
	[tilespmem:$0x1E800] =	vst v63  }
0x45: {  	_ =	swait.ge [sflag:s12], $0x2200  }
0x46: {  	[sflag:s12] =	ssyncset.done $0x0  }
0x47: {  	[sflag:s12] =	ssyncadd.s32 $0xFFFFDE00  }
0x48: {  	_ =	swait.ge [sflag:s18], $0x2200  }
0x49: {  	[sflag:s18] =	ssyncset.done $0x0  }
0x4a: {  	[sflag:s18] =	ssyncadd.s32 $0xFFFFDE00  }
0x4b: {  	[spmem:s2] =	stream.indirect.scatter.add.f32 [tilespmem:s16], [sflag:$0x3], $0x88, s20, s14, $0xb8;
	[tilespmem:$0x1E800] =	vst v63  }
0x4c: {  	_ =	swait.ge [sflag:s12], $0x2200  }
0x4d: {  	s21 =	sadd.s32 $0x1, s21;
	[sflag:s12] =	ssyncset.done $0x0  }
0x4e: {  	p0 =	sne.s32 s21, s10;
	[sflag:s12] =	ssyncadd.s32 $0xFFFFDE00  }
.Ltmp1:
0x4f: {  	[bflag:$0x0] =	sbarrier.arrive $0xFFFF;
	(pc) =	sbr.rel @p0 .LBB2_1-.Ltmp1, $4  }
0x50: {  	[hbm:s9], [sflag:s6] =	dma.local [spmem:s11], $0x2A80  }
0x51: {  	_ =	swait.ge [sflag:s12], $0x2A80  }
0x52: {  	[sflag:s12] =	ssyncset.done $0x0  }
0x53: {  	[sflag:s12] =	ssyncadd.s32 $0xFFFFD580  }
0x54: {  	_ =	sfence.sel $0x180000  }
0x55: {  	[bflag:$0x0] =	sbarrier.arrive $0xFFFF  }
0x56: {  	p0 =	sne.s32 s0, $0x0;
	_ =	strace $0x90000047  }
0x57: {  	s0 =	sadd.s32 @!p0 $0x100000, s1;
	[bflag:$0x2] =	sbarrier.arrive $0xFFFF  }
0x58: {  	[sflag:s0] =	ssyncadd.tile.s32 @!p0 $0x1;
	_ =	shalt  }
.Lfunc_end2:
_tile_overlayer_lowered:
.L_overlay_start_2:
0x59: {  	(tag) =	ssettag $0x2  }
0x5a: {  	s0 =	rddreg [dreg:$0x0];
	s2 =	stileid.u32  }
0x5b: {  	s1 =	rddreg [dreg:$0x1];
	p0 =	sne.s32 s2, $0x0  }
0x5c: {  	s3 =	rddreg [dreg:$0x2];
	[bflag:$0x3] =	sbarrier.arrive $0xFFFF;
	s2 =	simm.s32 @!p0 $0x1C03  }
0x5d: {  	[timem:s3], [sflag:s2] =	dma.local @!p0 [hbm:s0], s1  }
0x5e: {  	s0 =	simm.s32 @!p0 $0x3  }
0x5f: {  	_ =	swait.ge @!p0 [sflag:s0], s1  }
0x60: {  	s1 =	ssub.s32 @!p0 $0x0, s1;
	[sflag:s0] =	ssyncset.done @!p0 $0x0  }
0x61: {  	[sflag:s0] =	ssyncadd.s32 @!p0 s1  }
0x62: {  	[bflag:$0x3] =	sbarrier.arrive $0xFFFF  }
0x63: {  	_ =	shalt  }

</sc_bundles>
